<compile_context>
chip_gen: v7x
topology: tpu7x:2x2x1
jax: 0.10.2.dev20260603
libtpu: 0.0.44.dev20260713+nightly
codegen_flags: <defaults>
</compile_context>

<pallas_src>
import numpy as np
import jax
import jax.numpy as jnp
from jax.experimental import pallas as pl
from jax.experimental.pallas import tpu as pltpu

ROWS = 32
N = 1_000_000
NPAD = 1 << 20
SUB = 1024
LANE = 1024
SCH = 128
TEMP = np.float32(0.7 + (1.5 - 0.7) * (1.0 - 0.5))
TOPP = np.float32(0.85 + (0.98 - 0.85) * (1.0 - 0.5))
TINY = np.float32(np.finfo(np.float32).tiny)
NEGINF = np.float32(-np.inf)

_ROTS = (13, 15, 26, 6, 17, 29, 16, 24)


def _threefry_bits(flat_u32):
    ks = (0, 42, 0x1BD11BDA ^ 0 ^ 42)
    x1 = flat_u32 + jnp.uint32(42)
    x0 = None
    for r in range(20):
        x0 = x1 if r == 0 else x0 + x1
        d = _ROTS[r % 8]
        x1 = (x1 << jnp.uint32(d)) | (x1 >> jnp.uint32(32 - d))
        x1 = x1 ^ x0
        if r % 4 == 3:
            j = r // 4 + 1
            if ks[j % 3]:
                x0 = x0 + jnp.uint32(ks[j % 3])
            x1 = x1 + jnp.uint32((ks[(j + 1) % 3] + j) & 0xFFFFFFFF)
    return x0 ^ x1


def _gumbel_from_bits(bits):
    fb = (bits >> jnp.uint32(9)) | jnp.uint32(0x3F800000)
    f = jax.lax.bitcast_convert_type(fb, jnp.float32) - jnp.float32(1.0)
    u = f * (jnp.float32(1.0) - TINY) + TINY
    u = jnp.maximum(TINY, u)
    return -jnp.log(-jnp.log(u))


def _row_kernel(l_ref, out_ref, e_ref, s_ref):
    row = pl.program_id(0)
    l = l_ref[...]
    s = l / TEMP
    s_ref[...] = s
    m = jnp.max(s, axis=(-2, -1), keepdims=True)
    e = jnp.exp(s - m)
    e_ref[...] = e
    z = jnp.sum(e, axis=(-2, -1), keepdims=True)
    target = TOPP * z

    def search_it(_, c):
        lo, hi = c
        mid = jnp.float32(0.5) * (lo + hi)

        ev = e_ref[...]
        w = jnp.sum(jnp.where(ev > mid, ev, jnp.float32(0.0)),
                    axis=(-2, -1), keepdims=True)
        above = w > target
        return jnp.where(above, mid, lo), jnp.where(above, hi, mid)

    lo0 = jnp.zeros((1, 1, 1), jnp.float32)
    hi0 = jnp.ones((1, 1, 1), jnp.float32)
    tau, _ = jax.lax.fori_loop(0, 26, search_it, (lo0, hi0))

    base = (row * N).astype(jnp.uint32)

    def samp_it(c, carry):
        best_v, best_i = carry
        shape = (1, SCH, LANE)
        col = ((jax.lax.broadcasted_iota(jnp.int32, shape, 1) + c * SCH) * LANE
               + jax.lax.broadcasted_iota(jnp.int32, shape, 2))
        flat = base + col.astype(jnp.uint32)
        g = _gumbel_from_bits(_threefry_bits(flat))
        sc = s_ref[:, pl.ds(c * SCH, SCH), :]
        ev = e_ref[:, pl.ds(c * SCH, SCH), :]
        vals = jnp.where(ev > tau, sc + g, NEGINF)
        cmax = jnp.max(vals, axis=(-2, -1), keepdims=True)
        cidx = jnp.min(jnp.where(vals == cmax, col, jnp.int32(2 ** 30)),
                       axis=(-2, -1), keepdims=True)
        better = cmax > best_v
        return (jnp.where(better, cmax, best_v),
                jnp.where(better, cidx, best_i))

    bv0 = jnp.full((1, 1, 1), NEGINF, jnp.float32)
    bi0 = jnp.zeros((1, 1, 1), jnp.int32)
    _, best_i = jax.lax.fori_loop(0, SUB // SCH, samp_it, (bv0, bi0))
    out_ref[...] = jnp.broadcast_to(best_i, (1, 1, 128)).astype(jnp.float32)


@jax.jit
def kernel(logits, x_context, W_srf, b_srf):
    del x_context, W_srf, b_srf
    lp = jnp.pad(logits, ((0, 0), (0, NPAD - N)), constant_values=NEGINF)
    lp = lp.reshape(ROWS, SUB, LANE)
    out = pl.pallas_call(
        _row_kernel,
        grid=(ROWS,),
        in_specs=[pl.BlockSpec((1, SUB, LANE), lambda r: (r, 0, 0))],
        out_specs=pl.BlockSpec((1, 1, 128), lambda r: (r, 0, 0)),
        out_shape=jax.ShapeDtypeStruct((ROWS, 1, 128), jnp.float32),
        scratch_shapes=[
            pltpu.VMEM((1, SUB, LANE), jnp.float32),
            pltpu.VMEM((1, SUB, LANE), jnp.float32),
        ],
        compiler_params=pltpu.CompilerParams(
            dimension_semantics=("arbitrary",),
        ),
    )(lp)
    return out[:, 0, :1].astype(jnp.int32)

# --- scband reference (transcript-rebuilt; emitter-appended) ---
"""Pipeline reference for scband-non-linear-output-convergence-14113262535292 (READ-ONLY COPY).

The authoritative reference and input builder live on the scoring server;
editing this copy changes nothing except your own understanding.
"""

import jax, jax.numpy as jnp
import numpy as np

TEMP_MIN = 0.7
TEMP_MAX = 1.5
TOPP_MIN = 0.85
TOPP_MAX = 0.98
FOCUS = 0.5


def setup_inputs(seed: int = 0) -> dict:
    key = jax.random.key(seed)
    k1, k2, k3, _ = jax.random.split(key, 4)
    logits = jax.random.normal(k1, (32, 1000000), dtype=jnp.float32)
    x_context = jax.random.normal(k2, (32, 2048, 1024), dtype=jnp.float32)
    W_srf = jax.random.normal(k3, (1024, 2), dtype=jnp.float32) * 0.02
    b_srf = jnp.zeros((2,), dtype=jnp.float32)
    return {"logits": logits, "x_context": x_context, "W_srf": W_srf, "b_srf": b_srf}


def reference(logits, x_context, W_srf, b_srf):
    # context features -> srf_net (computed but unused downstream, faithful to torch code)
    context_features = x_context.mean(axis=1)
    srf_params = context_features @ W_srf + b_srf
    temp_scale, top_p_scale = srf_params[:, 0], srf_params[:, 1]  # noqa: F841 (unused in original)

    temperature = jnp.clip(TEMP_MIN + (TEMP_MAX - TEMP_MIN) * (1.0 - FOCUS), TEMP_MIN, TEMP_MAX)
    top_p = jnp.clip(TOPP_MIN + (TOPP_MAX - TOPP_MIN) * (1.0 - FOCUS), TOPP_MIN, TOPP_MAX)

    scaled = logits / temperature
    probs = jax.nn.softmax(scaled, axis=-1)

    order = jnp.argsort(-probs, axis=-1)  # descending sort indices
    sorted_probs = jnp.take_along_axis(probs, order, axis=-1)
    cumulative_probs = jnp.cumsum(sorted_probs, axis=-1)
    sorted_to_remove = cumulative_probs > top_p
    # shift right by one, keep top-1 always
    sorted_to_remove = jnp.concatenate(
        [jnp.zeros_like(sorted_to_remove[..., :1]), sorted_to_remove[..., :-1]], axis=-1
    )
    rows = jnp.arange(scaled.shape[0])[:, None]
    mask = jnp.zeros(scaled.shape, dtype=bool).at[rows, order].set(sorted_to_remove)

    masked_logits = jnp.where(mask, -jnp.inf, scaled)
    # multinomial(softmax(masked_logits), 1) == categorical over masked_logits
    skey = jax.random.key(42)
    idx_next = jax.random.categorical(skey, masked_logits, axis=-1)[:, None]
    return idx_next

if __name__ == "__main__":
    import jax
    _d = setup_inputs()
    print(jax.jit(kernel)(*tuple(_d.values())))

</pallas_src>

<mosaic_0001>
module attributes {stable_mosaic.version = 14 : i64} {
  func.func @_row_kernel(%arg0: i32, %arg1: memref<1x1024x1024xf32, #tpu.memory_space<vmem>>, %arg2: memref<1x1x128xf32, #tpu.memory_space<vmem>>, %arg3: memref<1x1024x1024xf32, #tpu.memory_space<vmem>>, %arg4: memref<1x1024x1024xf32, #tpu.memory_space<vmem>>) attributes {dimension_semantics = [#tpu.dimension_semantics<arbitrary>], iteration_bounds = array<i64: 32>, scalar_prefetch = 0 : i64, scratch_operands = 2 : i64, tpu.core_type = #tpu.core_type<tc>, window_params = [{transform_indices = @transform_0, window_bounds = array<i64: 1, 1024, 1024>}, {transform_indices = @transform_1, window_bounds = array<i64: 1, 1, 128>}]} {
    %get3A = arith.constant 0 : index
    %get3A_0 = arith.constant 0 : index
    %get3A_1 = arith.constant 0 : index
    %get3A_2 = vector.load %arg1[%get3A, %get3A_0, %get3A_1] : memref<1x1024x1024xf32, #tpu.memory_space<vmem>>, vector<1x1024x1024xf32>
    %div3A = arith.constant 1.100000e+00 : f32
    %div3A_3 = vector.broadcast %div3A : f32 to vector<1x1024x1024xf32>
    %div3A_4 = arith.divf %get3A_2, %div3A_3 : vector<1x1024x1024xf32>
    %swap3A = arith.constant 0 : index
    %swap3A_5 = arith.constant 0 : index
    %swap3A_6 = arith.constant 0 : index
    %swap3A_7 = vector.load %arg4[%swap3A, %swap3A_5, %swap3A_6] : memref<1x1024x1024xf32, #tpu.memory_space<vmem>>, vector<1x1024x1024xf32>
    tpu.vector_store %arg4[%swap3A, %swap3A_5, %swap3A_6], %div3A_4 {strides = array<i32>} : memref<1x1024x1024xf32, #tpu.memory_space<vmem>>, vector<1x1024x1024xf32>,
    %reduce_max3A = arith.constant dense<0xFF800000> : vector<1xf32>
    %reduce_max3A_8 = vector.multi_reduction <maximumf>, %div3A_4, %reduce_max3A [1, 2] : vector<1x1024x1024xf32> to vector<1xf32>
    %broadcast_in_dim3A = vector.shape_cast %reduce_max3A_8 : vector<1xf32> to vector<1x1x1xf32>
    %sub3A = vector.broadcast %broadcast_in_dim3A : vector<1x1x1xf32> to vector<1x1024x1024xf32>
    %sub3A_9 = arith.subf %div3A_4, %sub3A : vector<1x1024x1024xf32>
    %exp3A = math.exp %sub3A_9 : vector<1x1024x1024xf32>
    %swap3A_10 = arith.constant 0 : index
    %swap3A_11 = arith.constant 0 : index
    %swap3A_12 = arith.constant 0 : index
    %swap3A_13 = vector.load %arg3[%swap3A_10, %swap3A_11, %swap3A_12] : memref<1x1024x1024xf32, #tpu.memory_space<vmem>>, vector<1x1024x1024xf32>
    tpu.vector_store %arg3[%swap3A_10, %swap3A_11, %swap3A_12], %exp3A {strides = array<i32>} : memref<1x1024x1024xf32, #tpu.memory_space<vmem>>, vector<1x1024x1024xf32>,
    %reduce_sum3A = arith.constant dense<0.000000e+00> : vector<1xf32>
    %reduce_sum3A_14 = vector.multi_reduction <add>, %exp3A, %reduce_sum3A [1, 2] : vector<1x1024x1024xf32> to vector<1xf32>
    %broadcast_in_dim3A_15 = vector.shape_cast %reduce_sum3A_14 : vector<1xf32> to vector<1x1x1xf32>
    %mul3A = arith.constant 9.150000e-01 : f32
    %mul3A_16 = vector.broadcast %mul3A : f32 to vector<1x1x1xf32>
    %mul3A_17 = arith.mulf %mul3A_16, %broadcast_in_dim3A_15 : vector<1x1x1xf32>
    %broadcast_in_dim3A_18 = arith.constant 0.000000e+00 : f32
    %broadcast_in_dim3A_19 = vector.broadcast %broadcast_in_dim3A_18 : f32 to vector<1x1x1xf32>
    %broadcast_in_dim3A_20 = arith.constant 1.000000e+00 : f32
    %broadcast_in_dim3A_21 = vector.broadcast %broadcast_in_dim3A_20 : f32 to vector<1x1x1xf32>
    %scan3A = arith.constant 0 : i32
    %scan3A_22 = arith.constant 26 : i32
    %scan3A_23 = arith.addi %scan3A, %scan3A_22 : i32
    %scan3A_24 = arith.constant 1 : i32
    %scan3A_25:2 = scf.for %scan3A_44 = %scan3A to %scan3A_23 step %scan3A_24 iter_args(%scan3A_45 = %broadcast_in_dim3A_19, %scan3A_46 = %broadcast_in_dim3A_21) -> (vector<1x1x1xf32>, vector<1x1x1xf32>)  : i32 {
      %add3A = arith.addf %scan3A_45, %scan3A_46 : vector<1x1x1xf32>
      %mul3A_47 = arith.constant 5.000000e-01 : f32
      %mul3A_48 = vector.broadcast %mul3A_47 : f32 to vector<1x1x1xf32>
      %mul3A_49 = arith.mulf %mul3A_48, %add3A : vector<1x1x1xf32>
      %get3A_50 = arith.constant 0 : index
      %get3A_51 = arith.constant 0 : index
      %get3A_52 = arith.constant 0 : index
      %get3A_53 = vector.load %arg3[%get3A_50, %get3A_51, %get3A_52] : memref<1x1024x1024xf32, #tpu.memory_space<vmem>>, vector<1x1024x1024xf32>
      %gt3A = vector.broadcast %mul3A_49 : vector<1x1x1xf32> to vector<1x1024x1024xf32>
      %gt3A_54 = arith.cmpf ogt, %get3A_53, %gt3A : vector<1x1024x1024xf32>
      %jit3A = arith.constant 0.000000e+00 : f32
      %broadcast_in_dim3A_55 = vector.broadcast %jit3A : f32 to vector<1x1024x1024xf32>
      %select_n3A = arith.select %gt3A_54, %get3A_53, %broadcast_in_dim3A_55 : vector<1x1024x1024xi1>, vector<1x1024x1024xf32>
      %reduce_sum3A_56 = arith.constant dense<0.000000e+00> : vector<1xf32>
      %reduce_sum3A_57 = vector.multi_reduction <add>, %select_n3A, %reduce_sum3A_56 [1, 2] : vector<1x1024x1024xf32> to vector<1xf32>
      %broadcast_in_dim3A_58 = vector.shape_cast %reduce_sum3A_57 : vector<1xf32> to vector<1x1x1xf32>
      %gt3A_59 = arith.cmpf ogt, %broadcast_in_dim3A_58, %mul3A_17 : vector<1x1x1xf32>
      %select_n3A_60 = arith.select %gt3A_59, %mul3A_49, %scan3A_45 : vector<1x1x1xi1>, vector<1x1x1xf32>
      %select_n3A_61 = arith.select %gt3A_59, %scan3A_46, %mul3A_49 : vector<1x1x1xi1>, vector<1x1x1xf32>
      scf.yield %select_n3A_60, %select_n3A_61 : vector<1x1x1xf32>, vector<1x1x1xf32>
    }
    %mul3A_26 = arith.constant 1000000 : i32
    %mul3A_27 = arith.muli %arg0, %mul3A_26 : i32
    %broadcast_in_dim3A_28 = arith.constant 0xFF800000 : f32
    %broadcast_in_dim3A_29 = vector.broadcast %broadcast_in_dim3A_28 : f32 to vector<1x1x1xf32>
    %broadcast_in_dim3A_30 = arith.constant 0 : i32
    %broadcast_in_dim3A_31 = vector.broadcast %broadcast_in_dim3A_30 : i32 to vector<1x1x1xi32>
    %scan3A_32 = arith.constant 0 : i32
    %scan3A_33 = arith.constant 8 : i32
    %scan3A_34 = arith.addi %scan3A_32, %scan3A_33 : i32
    %scan3A_35 = arith.constant 1 : i32
    %scan3A_36:2 = scf.for %scan3A_44 = %scan3A_32 to %scan3A_34 step %scan3A_35 iter_args(%scan3A_45 = %broadcast_in_dim3A_29, %scan3A_46 = %broadcast_in_dim3A_31) -> (vector<1x1x1xf32>, vector<1x1x1xi32>)  : i32 {
      %iota3A = tpu.iota {dimensions = array<i32: 1>} : vector<1x128x1024xi32>
      %mul3A_47 = arith.constant 128 : i32
      %mul3A_48 = arith.muli %scan3A_44, %mul3A_47 : i32
      %add3A = vector.broadcast %mul3A_48 : i32 to vector<1x128x1024xi32>
      %add3A_49 = arith.addi %iota3A, %add3A : vector<1x128x1024xi32>
      %mul3A_50 = arith.constant 1024 : i32
      %mul3A_51 = vector.broadcast %mul3A_50 : i32 to vector<1x128x1024xi32>
      %mul3A_52 = arith.muli %add3A_49, %mul3A_51 : vector<1x128x1024xi32>
      %iota3A_53 = tpu.iota {dimensions = array<i32: 2>} : vector<1x128x1024xi32>
      %add3A_54 = arith.addi %mul3A_52, %iota3A_53 : vector<1x128x1024xi32>
      %add3A_55 = vector.broadcast %mul3A_27 : i32 to vector<1x128x1024xi32>
      %add3A_56 = arith.addi %add3A_55, %add3A_54 : vector<1x128x1024xi32>
      %add3A_57 = arith.constant 42 : i32
      %add3A_58 = vector.broadcast %add3A_57 : i32 to vector<1x128x1024xi32>
      %add3A_59 = arith.addi %add3A_56, %add3A_58 : vector<1x128x1024xi32>
      %shift_left3A = arith.constant 13 : i32
      %shift_left3A_60 = vector.broadcast %shift_left3A : i32 to vector<1x128x1024xi32>
      %shift_left3A_61 = arith.shli %add3A_59, %shift_left3A_60 : vector<1x128x1024xi32>
      %shift_right_logical3A = arith.constant 19 : i32
      %shift_right_logical3A_62 = vector.broadcast %shift_right_logical3A : i32 to vector<1x128x1024xi32>
      %shift_right_logical3A_63 = arith.shrui %add3A_59, %shift_right_logical3A_62 : vector<1x128x1024xi32>
      %or3A = arith.ori %shift_left3A_61, %shift_right_logical3A_63 : vector<1x128x1024xi32>
      %xor3A = arith.xori %or3A, %add3A_59 : vector<1x128x1024xi32>
      %add3A_64 = arith.addi %add3A_59, %xor3A : vector<1x128x1024xi32>
      %shift_left3A_65 = arith.constant 15 : i32
      %shift_left3A_66 = vector.broadcast %shift_left3A_65 : i32 to vector<1x128x1024xi32>
      %shift_left3A_67 = arith.shli %xor3A, %shift_left3A_66 : vector<1x128x1024xi32>
      %shift_right_logical3A_68 = arith.constant 17 : i32
      %shift_right_logical3A_69 = vector.broadcast %shift_right_logical3A_68 : i32 to vector<1x128x1024xi32>
      %shift_right_logical3A_70 = arith.shrui %xor3A, %shift_right_logical3A_69 : vector<1x128x1024xi32>
      %or3A_71 = arith.ori %shift_left3A_67, %shift_right_logical3A_70 : vector<1x128x1024xi32>
      %xor3A_72 = arith.xori %or3A_71, %add3A_64 : vector<1x128x1024xi32>
      %add3A_73 = arith.addi %add3A_64, %xor3A_72 : vector<1x128x1024xi32>
      %shift_left3A_74 = arith.constant 26 : i32
      %shift_left3A_75 = vector.broadcast %shift_left3A_74 : i32 to vector<1x128x1024xi32>
      %shift_left3A_76 = arith.shli %xor3A_72, %shift_left3A_75 : vector<1x128x1024xi32>
      %shift_right_logical3A_77 = arith.constant 6 : i32
      %shift_right_logical3A_78 = vector.broadcast %shift_right_logical3A_77 : i32 to vector<1x128x1024xi32>
      %shift_right_logical3A_79 = arith.shrui %xor3A_72, %shift_right_logical3A_78 : vector<1x128x1024xi32>
      %or3A_80 = arith.ori %shift_left3A_76, %shift_right_logical3A_79 : vector<1x128x1024xi32>
      %xor3A_81 = arith.xori %or3A_80, %add3A_73 : vector<1x128x1024xi32>
      %add3A_82 = arith.addi %add3A_73, %xor3A_81 : vector<1x128x1024xi32>
      %shift_left3A_83 = arith.constant 6 : i32
      %shift_left3A_84 = vector.broadcast %shift_left3A_83 : i32 to vector<1x128x1024xi32>
      %shift_left3A_85 = arith.shli %xor3A_81, %shift_left3A_84 : vector<1x128x1024xi32>
      %shift_right_logical3A_86 = arith.constant 26 : i32
      %shift_right_logical3A_87 = vector.broadcast %shift_right_logical3A_86 : i32 to vector<1x128x1024xi32>
      %shift_right_logical3A_88 = arith.shrui %xor3A_81, %shift_right_logical3A_87 : vector<1x128x1024xi32>
      %or3A_89 = arith.ori %shift_left3A_85, %shift_right_logical3A_88 : vector<1x128x1024xi32>
      %xor3A_90 = arith.xori %or3A_89, %add3A_82 : vector<1x128x1024xi32>
      %add3A_91 = arith.constant 42 : i32
      %add3A_92 = vector.broadcast %add3A_91 : i32 to vector<1x128x1024xi32>
      %add3A_93 = arith.addi %add3A_82, %add3A_92 : vector<1x128x1024xi32>
      %add3A_94 = arith.constant 466689009 : i32
      %add3A_95 = vector.broadcast %add3A_94 : i32 to vector<1x128x1024xi32>
      %add3A_96 = arith.addi %xor3A_90, %add3A_95 : vector<1x128x1024xi32>
      %add3A_97 = arith.addi %add3A_93, %add3A_96 : vector<1x128x1024xi32>
      %shift_left3A_98 = arith.constant 17 : i32
      %shift_left3A_99 = vector.broadcast %shift_left3A_98 : i32 to vector<1x128x1024xi32>
      %shift_left3A_100 = arith.shli %add3A_96, %shift_left3A_99 : vector<1x128x1024xi32>
      %shift_right_logical3A_101 = arith.constant 15 : i32
      %shift_right_logical3A_102 = vector.broadcast %shift_right_logical3A_101 : i32 to vector<1x128x1024xi32>
      %shift_right_logical3A_103 = arith.shrui %add3A_96, %shift_right_logical3A_102 : vector<1x128x1024xi32>
      %or3A_104 = arith.ori %shift_left3A_100, %shift_right_logical3A_103 : vector<1x128x1024xi32>
      %xor3A_105 = arith.xori %or3A_104, %add3A_97 : vector<1x128x1024xi32>
      %add3A_106 = arith.addi %add3A_97, %xor3A_105 : vector<1x128x1024xi32>
      %shift_left3A_107 = arith.constant 29 : i32
      %shift_left3A_108 = vector.broadcast %shift_left3A_107 : i32 to vector<1x128x1024xi32>
      %shift_left3A_109 = arith.shli %xor3A_105, %shift_left3A_108 : vector<1x128x1024xi32>
      %shift_right_logical3A_110 = arith.constant 3 : i32
      %shift_right_logical3A_111 = vector.broadcast %shift_right_logical3A_110 : i32 to vector<1x128x1024xi32>
      %shift_right_logical3A_112 = arith.shrui %xor3A_105, %shift_right_logical3A_111 : vector<1x128x1024xi32>
      %or3A_113 = arith.ori %shift_left3A_109, %shift_right_logical3A_112 : vector<1x128x1024xi32>
      %xor3A_114 = arith.xori %or3A_113, %add3A_106 : vector<1x128x1024xi32>
      %add3A_115 = arith.addi %add3A_106, %xor3A_114 : vector<1x128x1024xi32>
      %shift_left3A_116 = arith.constant 16 : i32
      %shift_left3A_117 = vector.broadcast %shift_left3A_116 : i32 to vector<1x128x1024xi32>
      %shift_left3A_118 = arith.shli %xor3A_114, %shift_left3A_117 : vector<1x128x1024xi32>
      %shift_right_logical3A_119 = arith.constant 16 : i32
      %shift_right_logical3A_120 = vector.broadcast %shift_right_logical3A_119 : i32 to vector<1x128x1024xi32>
      %shift_right_logical3A_121 = arith.shrui %xor3A_114, %shift_right_logical3A_120 : vector<1x128x1024xi32>
      %or3A_122 = arith.ori %shift_left3A_118, %shift_right_logical3A_121 : vector<1x128x1024xi32>
      %xor3A_123 = arith.xori %or3A_122, %add3A_115 : vector<1x128x1024xi32>
      %add3A_124 = arith.addi %add3A_115, %xor3A_123 : vector<1x128x1024xi32>
      %shift_left3A_125 = arith.constant 24 : i32
      %shift_left3A_126 = vector.broadcast %shift_left3A_125 : i32 to vector<1x128x1024xi32>
      %shift_left3A_127 = arith.shli %xor3A_123, %shift_left3A_126 : vector<1x128x1024xi32>
      %shift_right_logical3A_128 = arith.constant 8 : i32
      %shift_right_logical3A_129 = vector.broadcast %shift_right_logical3A_128 : i32 to vector<1x128x1024xi32>
      %shift_right_logical3A_130 = arith.shrui %xor3A_123, %shift_right_logical3A_129 : vector<1x128x1024xi32>
      %or3A_131 = arith.ori %shift_left3A_127, %shift_right_logical3A_130 : vector<1x128x1024xi32>
      %xor3A_132 = arith.xori %or3A_131, %add3A_124 : vector<1x128x1024xi32>
      %add3A_133 = arith.constant 466689008 : i32
      %add3A_134 = vector.broadcast %add3A_133 : i32 to vector<1x128x1024xi32>
      %add3A_135 = arith.addi %add3A_124, %add3A_134 : vector<1x128x1024xi32>
      %add3A_136 = arith.constant 2 : i32
      %add3A_137 = vector.broadcast %add3A_136 : i32 to vector<1x128x1024xi32>
      %add3A_138 = arith.addi %xor3A_132, %add3A_137 : vector<1x128x1024xi32>
      %add3A_139 = arith.addi %add3A_135, %add3A_138 : vector<1x128x1024xi32>
      %shift_left3A_140 = arith.constant 13 : i32
      %shift_left3A_141 = vector.broadcast %shift_left3A_140 : i32 to vector<1x128x1024xi32>
      %shift_left3A_142 = arith.shli %add3A_138, %shift_left3A_141 : vector<1x128x1024xi32>
      %shift_right_logical3A_143 = arith.constant 19 : i32
      %shift_right_logical3A_144 = vector.broadcast %shift_right_logical3A_143 : i32 to vector<1x128x1024xi32>
      %shift_right_logical3A_145 = arith.shrui %add3A_138, %shift_right_logical3A_144 : vector<1x128x1024xi32>
      %or3A_146 = arith.ori %shift_left3A_142, %shift_right_logical3A_145 : vector<1x128x1024xi32>
      %xor3A_147 = arith.xori %or3A_146, %add3A_139 : vector<1x128x1024xi32>
      %add3A_148 = arith.addi %add3A_139, %xor3A_147 : vector<1x128x1024xi32>
      %shift_left3A_149 = arith.constant 15 : i32
      %shift_left3A_150 = vector.broadcast %shift_left3A_149 : i32 to vector<1x128x1024xi32>
      %shift_left3A_151 = arith.shli %xor3A_147, %shift_left3A_150 : vector<1x128x1024xi32>
      %shift_right_logical3A_152 = arith.constant 17 : i32
      %shift_right_logical3A_153 = vector.broadcast %shift_right_logical3A_152 : i32 to vector<1x128x1024xi32>
      %shift_right_logical3A_154 = arith.shrui %xor3A_147, %shift_right_logical3A_153 : vector<1x128x1024xi32>
      %or3A_155 = arith.ori %shift_left3A_151, %shift_right_logical3A_154 : vector<1x128x1024xi32>
      %xor3A_156 = arith.xori %or3A_155, %add3A_148 : vector<1x128x1024xi32>
      %add3A_157 = arith.addi %add3A_148, %xor3A_156 : vector<1x128x1024xi32>
      %shift_left3A_158 = arith.constant 26 : i32
      %shift_left3A_159 = vector.broadcast %shift_left3A_158 : i32 to vector<1x128x1024xi32>
      %shift_left3A_160 = arith.shli %xor3A_156, %shift_left3A_159 : vector<1x128x1024xi32>
      %shift_right_logical3A_161 = arith.constant 6 : i32
      %shift_right_logical3A_162 = vector.broadcast %shift_right_logical3A_161 : i32 to vector<1x128x1024xi32>
      %shift_right_logical3A_163 = arith.shrui %xor3A_156, %shift_right_logical3A_162 : vector<1x128x1024xi32>
      %or3A_164 = arith.ori %shift_left3A_160, %shift_right_logical3A_163 : vector<1x128x1024xi32>
      %xor3A_165 = arith.xori %or3A_164, %add3A_157 : vector<1x128x1024xi32>
      %add3A_166 = arith.addi %add3A_157, %xor3A_165 : vector<1x128x1024xi32>
      %shift_left3A_167 = arith.constant 6 : i32
      %shift_left3A_168 = vector.broadcast %shift_left3A_167 : i32 to vector<1x128x1024xi32>
      %shift_left3A_169 = arith.shli %xor3A_165, %shift_left3A_168 : vector<1x128x1024xi32>
      %shift_right_logical3A_170 = arith.constant 26 : i32
      %shift_right_logical3A_171 = vector.broadcast %shift_right_logical3A_170 : i32 to vector<1x128x1024xi32>
      %shift_right_logical3A_172 = arith.shrui %xor3A_165, %shift_right_logical3A_171 : vector<1x128x1024xi32>
      %or3A_173 = arith.ori %shift_left3A_169, %shift_right_logical3A_172 : vector<1x128x1024xi32>
      %xor3A_174 = arith.xori %or3A_173, %add3A_166 : vector<1x128x1024xi32>
      %add3A_175 = arith.constant 45 : i32
      %add3A_176 = vector.broadcast %add3A_175 : i32 to vector<1x128x1024xi32>
      %add3A_177 = arith.addi %xor3A_174, %add3A_176 : vector<1x128x1024xi32>
      %add3A_178 = arith.addi %add3A_166, %add3A_177 : vector<1x128x1024xi32>
      %shift_left3A_179 = arith.constant 17 : i32
      %shift_left3A_180 = vector.broadcast %shift_left3A_179 : i32 to vector<1x128x1024xi32>
      %shift_left3A_181 = arith.shli %add3A_177, %shift_left3A_180 : vector<1x128x1024xi32>
      %shift_right_logical3A_182 = arith.constant 15 : i32
      %shift_right_logical3A_183 = vector.broadcast %shift_right_logical3A_182 : i32 to vector<1x128x1024xi32>
      %shift_right_logical3A_184 = arith.shrui %add3A_177, %shift_right_logical3A_183 : vector<1x128x1024xi32>
      %or3A_185 = arith.ori %shift_left3A_181, %shift_right_logical3A_184 : vector<1x128x1024xi32>
      %xor3A_186 = arith.xori %or3A_185, %add3A_178 : vector<1x128x1024xi32>
      %add3A_187 = arith.addi %add3A_178, %xor3A_186 : vector<1x128x1024xi32>
      %shift_left3A_188 = arith.constant 29 : i32
      %shift_left3A_189 = vector.broadcast %shift_left3A_188 : i32 to vector<1x128x1024xi32>
      %shift_left3A_190 = arith.shli %xor3A_186, %shift_left3A_189 : vector<1x128x1024xi32>
      %shift_right_logical3A_191 = arith.constant 3 : i32
      %shift_right_logical3A_192 = vector.broadcast %shift_right_logical3A_191 : i32 to vector<1x128x1024xi32>
      %shift_right_logical3A_193 = arith.shrui %xor3A_186, %shift_right_logical3A_192 : vector<1x128x1024xi32>
      %or3A_194 = arith.ori %shift_left3A_190, %shift_right_logical3A_193 : vector<1x128x1024xi32>
      %xor3A_195 = arith.xori %or3A_194, %add3A_187 : vector<1x128x1024xi32>
      %add3A_196 = arith.addi %add3A_187, %xor3A_195 : vector<1x128x1024xi32>
      %shift_left3A_197 = arith.constant 16 : i32
      %shift_left3A_198 = vector.broadcast %shift_left3A_197 : i32 to vector<1x128x1024xi32>
      %shift_left3A_199 = arith.shli %xor3A_195, %shift_left3A_198 : vector<1x128x1024xi32>
      %shift_right_logical3A_200 = arith.constant 16 : i32
      %shift_right_logical3A_201 = vector.broadcast %shift_right_logical3A_200 : i32 to vector<1x128x1024xi32>
      %shift_right_logical3A_202 = arith.shrui %xor3A_195, %shift_right_logical3A_201 : vector<1x128x1024xi32>
      %or3A_203 = arith.ori %shift_left3A_199, %shift_right_logical3A_202 : vector<1x128x1024xi32>
      %xor3A_204 = arith.xori %or3A_203, %add3A_196 : vector<1x128x1024xi32>
      %add3A_205 = arith.addi %add3A_196, %xor3A_204 : vector<1x128x1024xi32>
      %shift_left3A_206 = arith.constant 24 : i32
      %shift_left3A_207 = vector.broadcast %shift_left3A_206 : i32 to vector<1x128x1024xi32>
      %shift_left3A_208 = arith.shli %xor3A_204, %shift_left3A_207 : vector<1x128x1024xi32>
      %shift_right_logical3A_209 = arith.constant 8 : i32
      %shift_right_logical3A_210 = vector.broadcast %shift_right_logical3A_209 : i32 to vector<1x128x1024xi32>
      %shift_right_logical3A_211 = arith.shrui %xor3A_204, %shift_right_logical3A_210 : vector<1x128x1024xi32>
      %or3A_212 = arith.ori %shift_left3A_208, %shift_right_logical3A_211 : vector<1x128x1024xi32>
      %xor3A_213 = arith.xori %or3A_212, %add3A_205 : vector<1x128x1024xi32>
      %add3A_214 = arith.constant 42 : i32
      %add3A_215 = vector.broadcast %add3A_214 : i32 to vector<1x128x1024xi32>
      %add3A_216 = arith.addi %add3A_205, %add3A_215 : vector<1x128x1024xi32>
      %add3A_217 = arith.constant 466689012 : i32
      %add3A_218 = vector.broadcast %add3A_217 : i32 to vector<1x128x1024xi32>
      %add3A_219 = arith.addi %xor3A_213, %add3A_218 : vector<1x128x1024xi32>
      %add3A_220 = arith.addi %add3A_216, %add3A_219 : vector<1x128x1024xi32>
      %shift_left3A_221 = arith.constant 13 : i32
      %shift_left3A_222 = vector.broadcast %shift_left3A_221 : i32 to vector<1x128x1024xi32>
      %shift_left3A_223 = arith.shli %add3A_219, %shift_left3A_222 : vector<1x128x1024xi32>
      %shift_right_logical3A_224 = arith.constant 19 : i32
      %shift_right_logical3A_225 = vector.broadcast %shift_right_logical3A_224 : i32 to vector<1x128x1024xi32>
      %shift_right_logical3A_226 = arith.shrui %add3A_219, %shift_right_logical3A_225 : vector<1x128x1024xi32>
      %or3A_227 = arith.ori %shift_left3A_223, %shift_right_logical3A_226 : vector<1x128x1024xi32>
      %xor3A_228 = arith.xori %or3A_227, %add3A_220 : vector<1x128x1024xi32>
      %add3A_229 = arith.addi %add3A_220, %xor3A_228 : vector<1x128x1024xi32>
      %shift_left3A_230 = arith.constant 15 : i32
      %shift_left3A_231 = vector.broadcast %shift_left3A_230 : i32 to vector<1x128x1024xi32>
      %shift_left3A_232 = arith.shli %xor3A_228, %shift_left3A_231 : vector<1x128x1024xi32>
      %shift_right_logical3A_233 = arith.constant 17 : i32
      %shift_right_logical3A_234 = vector.broadcast %shift_right_logical3A_233 : i32 to vector<1x128x1024xi32>
      %shift_right_logical3A_235 = arith.shrui %xor3A_228, %shift_right_logical3A_234 : vector<1x128x1024xi32>
      %or3A_236 = arith.ori %shift_left3A_232, %shift_right_logical3A_235 : vector<1x128x1024xi32>
      %xor3A_237 = arith.xori %or3A_236, %add3A_229 : vector<1x128x1024xi32>
      %add3A_238 = arith.addi %add3A_229, %xor3A_237 : vector<1x128x1024xi32>
      %shift_left3A_239 = arith.constant 26 : i32
      %shift_left3A_240 = vector.broadcast %shift_left3A_239 : i32 to vector<1x128x1024xi32>
      %shift_left3A_241 = arith.shli %xor3A_237, %shift_left3A_240 : vector<1x128x1024xi32>
      %shift_right_logical3A_242 = arith.constant 6 : i32
      %shift_right_logical3A_243 = vector.broadcast %shift_right_logical3A_242 : i32 to vector<1x128x1024xi32>
      %shift_right_logical3A_244 = arith.shrui %xor3A_237, %shift_right_logical3A_243 : vector<1x128x1024xi32>
      %or3A_245 = arith.ori %shift_left3A_241, %shift_right_logical3A_244 : vector<1x128x1024xi32>
      %xor3A_246 = arith.xori %or3A_245, %add3A_238 : vector<1x128x1024xi32>
      %add3A_247 = arith.addi %add3A_238, %xor3A_246 : vector<1x128x1024xi32>
      %shift_left3A_248 = arith.constant 6 : i32
      %shift_left3A_249 = vector.broadcast %shift_left3A_248 : i32 to vector<1x128x1024xi32>
      %shift_left3A_250 = arith.shli %xor3A_246, %shift_left3A_249 : vector<1x128x1024xi32>
      %shift_right_logical3A_251 = arith.constant 26 : i32
      %shift_right_logical3A_252 = vector.broadcast %shift_right_logical3A_251 : i32 to vector<1x128x1024xi32>
      %shift_right_logical3A_253 = arith.shrui %xor3A_246, %shift_right_logical3A_252 : vector<1x128x1024xi32>
      %or3A_254 = arith.ori %shift_left3A_250, %shift_right_logical3A_253 : vector<1x128x1024xi32>
      %xor3A_255 = arith.xori %or3A_254, %add3A_247 : vector<1x128x1024xi32>
      %add3A_256 = arith.constant 466689008 : i32
      %add3A_257 = vector.broadcast %add3A_256 : i32 to vector<1x128x1024xi32>
      %add3A_258 = arith.addi %add3A_247, %add3A_257 : vector<1x128x1024xi32>
      %add3A_259 = arith.constant 5 : i32
      %add3A_260 = vector.broadcast %add3A_259 : i32 to vector<1x128x1024xi32>
      %add3A_261 = arith.addi %xor3A_255, %add3A_260 : vector<1x128x1024xi32>
      %xor3A_262 = arith.xori %add3A_258, %add3A_261 : vector<1x128x1024xi32>
      %shift_right_logical3A_263 = arith.constant 9 : i32
      %shift_right_logical3A_264 = vector.broadcast %shift_right_logical3A_263 : i32 to vector<1x128x1024xi32>
      %shift_right_logical3A_265 = arith.shrui %xor3A_262, %shift_right_logical3A_264 : vector<1x128x1024xi32>
      %or3A_266 = arith.constant 1065353216 : i32
      %or3A_267 = vector.broadcast %or3A_266 : i32 to vector<1x128x1024xi32>
      %or3A_268 = arith.ori %shift_right_logical3A_265, %or3A_267 : vector<1x128x1024xi32>
      %bitcast_convert_type3A = tpu.bitcast %or3A_268 : vector<1x128x1024xi32> -> vector<1x128x1024xf32>
      %sub3A_269 = arith.constant 1.000000e+00 : f32
      %sub3A_270 = vector.broadcast %sub3A_269 : f32 to vector<1x128x1024xf32>
      %sub3A_271 = arith.subf %bitcast_convert_type3A, %sub3A_270 : vector<1x128x1024xf32>
      %sub3A_272 = arith.constant 1.000000e+00 : f32
      %sub3A_273 = arith.constant 1.17549435E-38 : f32
      %sub3A_274 = arith.subf %sub3A_272, %sub3A_273 : f32
      %mul3A_275 = vector.broadcast %sub3A_274 : f32 to vector<1x128x1024xf32>
      %mul3A_276 = arith.mulf %sub3A_271, %mul3A_275 : vector<1x128x1024xf32>
      %add3A_277 = arith.constant 1.17549435E-38 : f32
      %add3A_278 = vector.broadcast %add3A_277 : f32 to vector<1x128x1024xf32>
      %add3A_279 = arith.addf %mul3A_276, %add3A_278 : vector<1x128x1024xf32>
      %max3A = arith.constant 1.17549435E-38 : f32
      %max3A_280 = vector.broadcast %max3A : f32 to vector<1x128x1024xf32>
      %max3A_281 = arith.maximumf %max3A_280, %add3A_279 : vector<1x128x1024xf32>
      %log3A = math.log %max3A_281 : vector<1x128x1024xf32>
      %neg3A = arith.constant 0.000000e+00 : f32
      %neg3A_282 = vector.broadcast %neg3A : f32 to vector<1x128x1024xf32>
      %neg3A_283 = arith.subf %neg3A_282, %log3A : vector<1x128x1024xf32>
      %log3A_284 = math.log %neg3A_283 : vector<1x128x1024xf32>
      %neg3A_285 = arith.constant 0.000000e+00 : f32
      %neg3A_286 = vector.broadcast %neg3A_285 : f32 to vector<1x128x1024xf32>
      %neg3A_287 = arith.subf %neg3A_286, %log3A_284 : vector<1x128x1024xf32>
      %mul3A_288 = arith.constant 128 : i32
      %mul3A_289 = arith.muli %scan3A_44, %mul3A_288 : i32
      %get3A_290 = arith.constant 0 : index
      %get3A_291 = arith.index_cast %mul3A_289 : i32 to index
      %get3A_292 = arith.constant 0 : index
      %get3A_293 = vector.load %arg4[%get3A_290, %get3A_291, %get3A_292] : memref<1x1024x1024xf32, #tpu.memory_space<vmem>>, vector<1x128x1024xf32>
      %mul3A_294 = arith.constant 128 : i32
      %mul3A_295 = arith.muli %scan3A_44, %mul3A_294 : i32
      %get3A_296 = arith.constant 0 : index
      %get3A_297 = arith.index_cast %mul3A_295 : i32 to index
      %get3A_298 = arith.constant 0 : index
      %get3A_299 = vector.load %arg3[%get3A_296, %get3A_297, %get3A_298] : memref<1x1024x1024xf32, #tpu.memory_space<vmem>>, vector<1x128x1024xf32>
      %gt3A = vector.broadcast %scan3A_25#0 : vector<1x1x1xf32> to vector<1x128x1024xf32>
      %gt3A_300 = arith.cmpf ogt, %get3A_299, %gt3A : vector<1x128x1024xf32>
      %add3A_301 = arith.addf %get3A_293, %neg3A_287 : vector<1x128x1024xf32>
      %jit3A = arith.constant 0xFF800000 : f32
      %broadcast_in_dim3A_302 = vector.broadcast %jit3A : f32 to vector<1x128x1024xf32>
      %select_n3A = arith.select %gt3A_300, %add3A_301, %broadcast_in_dim3A_302 : vector<1x128x1024xi1>, vector<1x128x1024xf32>
      %reduce_max3A_303 = arith.constant dense<0xFF800000> : vector<1xf32>
      %reduce_max3A_304 = vector.multi_reduction <maximumf>, %select_n3A, %reduce_max3A_303 [1, 2] : vector<1x128x1024xf32> to vector<1xf32>
      %broadcast_in_dim3A_305 = vector.shape_cast %reduce_max3A_304 : vector<1xf32> to vector<1x1x1xf32>
      %eq3A = vector.broadcast %broadcast_in_dim3A_305 : vector<1x1x1xf32> to vector<1x128x1024xf32>
      %eq3A_306 = arith.cmpf oeq, %select_n3A, %eq3A : vector<1x128x1024xf32>
      %jit3A_307 = arith.constant 1073741824 : i32
      %broadcast_in_dim3A_308 = vector.broadcast %jit3A_307 : i32 to vector<1x128x1024xi32>
      %select_n3A_309 = arith.select %eq3A_306, %add3A_54, %broadcast_in_dim3A_308 : vector<1x128x1024xi1>, vector<1x128x1024xi32>
      %reduce_min3A = arith.constant dense<2147483647> : vector<1xi32>
      %reduce_min3A_310 = vector.multi_reduction <minsi>, %select_n3A_309, %reduce_min3A [1, 2] : vector<1x128x1024xi32> to vector<1xi32>
      %broadcast_in_dim3A_311 = vector.shape_cast %reduce_min3A_310 : vector<1xi32> to vector<1x1x1xi32>
      %gt3A_312 = arith.cmpf ogt, %broadcast_in_dim3A_305, %scan3A_45 : vector<1x1x1xf32>
      %select_n3A_313 = arith.select %gt3A_312, %broadcast_in_dim3A_305, %scan3A_45 : vector<1x1x1xi1>, vector<1x1x1xf32>
      %select_n3A_314 = arith.select %gt3A_312, %broadcast_in_dim3A_311, %scan3A_46 : vector<1x1x1xi1>, vector<1x1x1xi32>
      scf.yield %select_n3A_313, %select_n3A_314 : vector<1x1x1xf32>, vector<1x1x1xi32>
    }
    %scan3A_37 = arith.constant 8 : i32
    %broadcast_in_dim3A_38 = vector.shape_cast %scan3A_36#1 : vector<1x1x1xi32> to vector<1x1x1xi32>
    %broadcast_in_dim3A_39 = vector.broadcast %broadcast_in_dim3A_38 : vector<1x1x1xi32> to vector<1x1x128xi32>
    %convert_element_type3A = arith.sitofp %broadcast_in_dim3A_39 : vector<1x1x128xi32> to vector<1x1x128xf32>
    %swap3A_40 = arith.constant 0 : index
    %swap3A_41 = arith.constant 0 : index
    %swap3A_42 = arith.constant 0 : index
    %swap3A_43 = vector.load %arg2[%swap3A_40, %swap3A_41, %swap3A_42] : memref<1x1x128xf32, #tpu.memory_space<vmem>>, vector<1x1x128xf32>
    tpu.vector_store %arg2[%swap3A_40, %swap3A_41, %swap3A_42], %convert_element_type3A {strides = array<i32>} : memref<1x1x128xf32, #tpu.memory_space<vmem>>, vector<1x1x128xf32>,
    return
  }
  func.func @transform_0(%arg0: i32) -> (i32, i32, i32) {
    %c0_i32 = arith.constant 0 : i32
    %c0_i32_0 = arith.constant 0 : i32
    %c0_i32_1 = arith.constant 0 : i32
    return %arg0, %c0_i32, %c0_i32_0 : i32, i32, i32
  }
  func.func @transform_1(%arg0: i32) -> (i32, i32, i32) {
    %c0_i32 = arith.constant 0 : i32
    %c0_i32_0 = arith.constant 0 : i32
    %c0_i32_1 = arith.constant 0 : i32
    return %arg0, %c0_i32, %c0_i32_0 : i32, i32, i32
  }
}

</mosaic_0001>

<sc_bundles>
// kernel: sparse-core-data-format-call.cloned.1.call-start
scs
called_computation_lowered:
.L_overlay_start_0:
0x0: {  	s1 =	sld [smem:$0x3FD9]  }
0x1: {  	s2 =	sld [smem:$0x3FFE];
	_ =	sdelay $0x1  }
0x2: {  	s3 =	srdreg.scid  }
0x3: {  	s0 =	sand.u32 $0x1, s3  }
0x4: {  	s17 =	sshll.u32 s0, $0xA;
	s1 =	sadd.s32 s2, s1  }
0x5: {  	s1 =	sadd.s32 s1, s17  }
0x6: {  	[smem:$0x3FC7] =	sst s1  }
0x7: {  	_ = 	snop  }
0x8: {  	(tm) =	ssettm $0x1  }
0x9: {  	s18 =	sld [smem:$0x3FFB];
	_ =	sdelay $0x3  }
0xa: {  	_ =	strace s18  }
0xb: {  	s1 =	sld [smem:$0x3FFC];
	_ =	sdelay $0x3  }
0xc: {  	_ =	strace s1  }
0xd: {  	s1 =	sld [smem:$0x3FFD];
	_ =	sdelay $0x3  }
0xe: {  	_ =	strace s1  }
0xf: {  	_ =	strace $0x8FFFFFFF  }
0x10: {  	s19 =	sld [smem:$0x3FDB];
	_ =	sdelay $0x1  }
0x11: {  	s20 =	simm.s32 $_scs_section_size  }
0x12: {  	s4 =	simm.s32 $_size__tile_overlayer_lowered;
	s5 =	simm.s32 $_tile_overlayer_lowered  }
0x13: {  	s23 =	simm.s32 $0x1BFF;
	s22 =	sshll.u32 s5, $0x1;
	s1 =	sadd.s32 s20, s19  }
0x14: {  	s6 =	simm.s32 $0x0;
	s21 =	sshll.u32 s4, $0x1;
	s4 =	sadd.s32 s22, s1  }
0x15: {  	[timem:s6], [sflag:s23] =	dma.local [hbm:s4], s21  }
0x16: {  	_ =	swait.ge [sflag:s23], s21  }
0x17: {  	s2 =	ssub.s32 $0x0, s21;
	[sflag:s23] =	ssyncset.done $0x0  }
0x18: {  	[sflag:s23] =	ssyncadd.s32 s2;
	_ =	sdelay $0x1  }
0x19: {  	s24 =	simm.s32 $0x1B8B  }
0x1a: {  	_ =	swait.ge [sflag:s24], $0x1  }
0x1b: {  	[sflag:s24] =	ssyncset.done $0x0  }
0x1c: {  	s26 =	simm.s32 $0x1B8E;
	s25 =	sld [smem:$0x3FFE];
	[sflag:s24] =	ssyncadd.s32 $0xFFFFFFFF  }
0x1d: {  	s27 =	simm.s32 $execute0_lowered;
	[smem:$0x3FD2] =	sst s26  }
0x1e: {  	s4 =	sshll.u32 s27, $0x1;
	_ =	strace $0x80000046;
	[dreg:$0x1] =	wrdreg $0xFFFFFFFF  }
0x1f: {  	s28 =	simm.s32 $_size_execute0_lowered;
	s1 =	sadd.s32 s1, s4;
	[dreg:$0x0] =	wrdreg $0x0  }
0x20: {  	s4 =	sshll.u32 s28, $0x1;
	[dreg:$0x2] =	wrdreg s1  }
0x21: {  	[dreg:$0x3] =	wrdreg s4  }
0x22: {  	[dreg:$0x4] =	wrdreg $0xC0  }
0x23: {  	_ =	task [dreg:s6], $0x5FFFF  }
0x24: {  	[dreg:$0x1] =	wrdreg $0xFFFFFFFF  }
0x25: {  	[dreg:$0x0] =	wrdreg $0x60  }
0x26: {  	[dreg:$0x2] =	wrdreg s25  }
0x27: {  	[dreg:$0x3] =	wrdreg $0x9  }
0x28: {  	_ =	task.clear_ibuf [dreg:s6], $0x4FFFF;
	_ =	strace $0x90000046  }
0x29: {  	s29 =	simm.s32 $0x9;
	_ =	strace $0x80000048  }
0x2a: {  	_ =	swait.ge [sflag:s29], $0x1  }
0x2b: {  	[sflag:s29] =	ssyncadd.s32 $0xFFFFFFFF  }
0x2c: {  	_ =	strace $0x90000048  }
0x2d: {  	_ =	sfence  }
0x2e: {  	s30 =	sld [smem:$0x0];
	_ =	sdelay $0x2  }
0x2f: {  	s31 =	sshll.u32 s3, $0xD;
	s3 =	sshrl.u32 s3, $0x2  }
0x30: {  	s2 =	sand.u32 $0x4000, s31;
	s1 =	sadd.s32 s3, s30  }
0x31: {  	s0 =	sor.u32 s2, s0;
	s1 =	sshll.u32 s1, $0x11  }
0x32: {  	s0 =	sor.u32 s1, s0  }
0x33: {  	s0 =	sadd.s32 $0x8F2B, s0  }
0x34: {  	[sflag:s0] =	ssyncadd.remote.s32 $0x1  }
0x35: {  	_ =	sfence.sel $0xFFFF  }
0x36: {  	[dreg:$0x0] =	wrdreg $0xFFFFFFFF;
	(pc) =	sbr.abs _section_cstart, $3  }
0x37: {  	[dreg:$0x1] =	wrdreg $0xFFFFFFFF  }
0x38: {  	_ =	task.clear_ibuf [dreg:s6], $0x2FFFF;
	_ =	strace $0x9FFFFFFF  }
0x39: {  	(tm) =	ssettm $0x7FFFFFFF  }
tec
execute0_lowered:
.L_overlay_start_1:
0x0: {  	(tag) =	ssettag $0x1  }
0x1: {  	s7 =	stileid.u32  }
0x2: {  	s0 =	srdreg.scid;
	s3 =	rddreg [dreg:$0x0]  }
0x3: {  	_ =	strace $0x80000047;
	s5 =	simm.s32 $0x1;
	s31 =	simm.s32 $0x2  }
0x4: {  	s16 =	simm.s32 $0x0;
	s1 =	sshll.u32 s7, $0x1;
	s0 =	sshll.u32 s0, $0x5  }
0x5: {  	s9 =	simm.s32 $0x100000;
	s10 =	simm.s32 $0x0;
	s0 =	sor.u32 s1, s0  }
0x6: {  	s17 =	simm.s32 $0x0;
	s19 =	simm.s32 $0x0;
	s2 =	sand.u32 $0x38, s0  }
0x7: {  	s18 =	simm.s32 $0x0;
	s11 =	simm.s32 $0x0;
	s0 =	ssub.s32 $0x400, s2  }
0x8: {  	s12 =	simm.s32 $0x0;
	s15 =	simm.s32 $0x0;
	s30 =	sand.u32 $0x38, s0  }
.Ltmp0:
0x9: {  	s1 =	simm.s32 $0x1;
	p0 =	sne.s32 s30, $0x0;
	(pc) =	sbr.rel .LBB1_1-.Ltmp0, $4  }
0xa: {  	s25 =	simm.s32 $0x0;
	s0 =	sshrl.u32 s0, $0x6;
	s1 =	simm.s32 @!p0 $0x0  }
0xb: {  	s4 =	sadd.s32 $0x400000, s3;
	[sflag:s5] =	ssyncpa.u1 $0x0;
	s0 =	sadd.s32 s1, s0  }
0xc: {  	s7 =	sand.u32 $0x3, s7;
	[sflag:s31] =	ssyncpa.u1 $0x0;
	s6 =	sshll.u32 s0, $0x2  }
0xd: {  	s14 =	smov.u32 s7;
	s13 =	smov.u32 s2;
	s8 =	sor.u32 $0x1, s6  }
.LBB1_7:
0xe: {  	s0 =	sadd.s32 $0x100, s11  }
0xf: {  	s1 =	sadd.s32 $0x8, s12;
	s20 =	smov.u32 s12;
	p1 =	sgt.s32 s0, $0x3FF  }
0x10: {  	s20 =	smov.u32 @p1 s1  }
0x11: {  	s21 =	smov.u32 s13;
	s1 =	sadd.s32 $0x40, s13;
	p2 =	sgt.s32 s20, $0x7  }
0x12: {  	s21 =	smov.u32 @p2 s1  }
0x13: {  	s22 =	smov.u32 s14;
	s1 =	sadd.s32 $0x4, s14;
	p3 =	sgt.s32 s21, $0x3FF  }
0x14: {  	p0 =	slt.u32 s15, $0x2;
	s22 =	smov.u32 @p3 s1  }
0x15: {  	s16 =	smov.u32 s11;
	s0 =	simm.s32 @p1 $0x0;
	p1 =	sgt.s32 s22, $0x3  }
0x16: {  	s17 =	smov.u32 s12;
	s22 =	smov.u32 @p1 s7;
	p1 =	sne.s32 s15, s8  }
.Ltmp1:
0x17: {  	s19 =	smov.u32 s13;
	s18 =	smov.u32 s14;
	(pc) =	sbr.rel @!p1 .LBB1_8-.Ltmp1, $4  }
0x18: {  	s10 =	sadd.s32 $0x4000, s10;
	s11 =	smov.u32 s0;
	s1 =	simm.s32 @!p0 $0x2  }
0x19: {  	s20 =	simm.s32 @p2 $0x0;
	s21 =	smov.u32 @p3 s2;
	_ =	swait.ge @!p0 [sflag:s1], $0x4000  }
0x1a: {  	s12 =	smov.u32 s20;
	s13 =	smov.u32 s21;
	[sflag:s1] =	ssyncset.done @!p0 $0x0  }
0x1b: {  	s15 =	sadd.s32 $0x1, s15;
	[sflag:s1] =	ssyncadd.s32 @!p0 $0xFFFFC000;
	s14 =	smov.u32 s22  }
.LBB1_1:
0x1c: {  	p0 =	sge.u32 s15, s6  }
0x1d: {  	s31 =	sadd.s32 $0xFFFFFFFF, s15;
	s0 =	sxor.u32 @!p0 $0xFFFFFFFF, s15  }
0x1e: {  	s1 =	sshll.u32 @!p0 s12, $0x7;
	s20 =	sand.u32 @!p0 $0x78, s11;
	s21 =	sshll.u32 @!p0 s14, $0x14  }
0x1f: {  	s22 =	sand.u32 @!p0 $0x380, s11;
	s0 =	sshll.u32 @!p0 s0, $0xE;
	s1 =	sand.u32 @!p0 $0x380, s1  }
0x20: {  	s21 =	sadd.s32 @!p0 s3, s21;
	s1 =	sor.u32 @!p0 s20, s1;
	s20 =	sshll.u32 @!p0 s13, $0xA  }
0x21: {  	s0 =	sand.u32 @!p0 $0x4000, s0;
	s20 =	sadd.s32 @!p0 s20, s21;
	s21 =	sand.u32 @!p0 $0x7, s11  }
0x22: {  	s1 =	sshrl.u32 @!p0 s1, $0x3;
	s20 =	sadd.s32 @!p0 s22, s20;
	s21 =	sshll.u32 @!p0 s21, $0x12  }
0x23: {  	s1 =	sadd.s32 @!p0 s1, s20;
	s20 =	sor.u32 @!p0 $0x800, s21;
	s21 =	simm.s32 @!p0 $0x2000  }
0x24: {  	[tilespmem:s0], [sflag:$0x1] =	stream.strided.gather @!p0 [hbm4b:s1+s20], $0x4000, s21, s20, $0x38;
	[tilespmem:$0x10000] =	vst v63  }
0x25: {  	p0 =	sge.u32 s31, s6  }
.Ltmp2:
0x26: {  	_ = 	snop;
	(pc) =	sbr.rel @p0 .LBB1_7-.Ltmp2, $1  }
0x27: {  	_ =	sdelay $0x3  }
0x28: {  	s0 =	sshll.u32 s10, $0x2;
	_ =	swait.ge [sflag:s5], $0x4000;
	s1 =	sshll.u32 s15, $0xE  }
0x29: {  	p0 =	por $0x0, $0x0;
	s26 =	simm.s32 $0x0;
	s27 =	simm.s32 $0x0  }
0x2a: {  	s0 =	sand.u32 $0x10000, s0;
	[sflag:s5] =	ssyncset.done $0x0;
	s23 =	sand.u32 $0x4000, s1  }
0x2b: {  	s0 =	sshrl.u32 s0, $0x2;
	[sflag:s5] =	ssyncadd.s32 $0xFFFFC000;
	s20 =	sor.u32 $0x8000, s23  }
0x2c: {  	s21 =	sor.u32 $0x40, s0;
	s22 =	sor.u32 $0x8410, s0;
	s24 =	sadd.s32 $0x8400, s0  }
.LBB1_3:
0x2d: {  	v1 =	vld [tilespmem:s21+$0xFFFFFFD0]  }
0x2e: {  	v2 =	vld [tilespmem:s21+$0x430]  }
0x2f: {  	s0 =	sshll.u32 s27, $0xB;
	v4 =	vld [tilespmem:s21+$0xFFFFFFE0]  }
0x30: {  	v7 =	vld [tilespmem:s21+$0xFFFFFFF0];
	v0 =	vmov s0  }
0x31: {  	v8 =	vld [tilespmem:s21+$0x0]  }
0x32: {  	v9 =	vld [tilespmem:s21+$0x10];
	s0 =	sand.u32 $0x300, s25  }
0x33: {  	s1 =	sand.u32 $0x80, s25;
	v10 =	vld [tilespmem:s21+$0x20];
	s0 =	sadd.s32 s0, s23  }
0x34: {  	v11 =	vld [tilespmem:s21+$0x30];
	s0 =	sadd.s32 s1, s0;
	s1 =	simm.s32 $0x1;
	[tilespmem:s22+$0x60] =	vst v2  }
0x35: {  	s1 =	simm.s32 @!p0 $0x0;
	[tilespmem:s22+$0xFFFFFC00] =	vst v1;
	v3 =	vld.idx.msk [tilespmem:v0+s0+$0x400 ss:$0x1], $0xffff;
	s0 =	sshll.u32 s26, $0x2  }
0x36: {  	v6 =	vld [tilespmem:s21+$0x3D0];
	s1 =	sshll.u32 s1, $0x9;
	[tilespmem:s22+$0xFFFFFC10] =	vst v4;
	s0 =	sand.u32 $0xFFFFFC00, s0  }
0x37: {  	v5 =	vld [tilespmem:s21+$0x3E0];
	[tilespmem:s22+$0xFFFFFC20] =	vst v7;
	s0 =	sor.u32 s1, s0  }
0x38: {  	[tilespmem:s22+$0xFFFFFC30] =	vst v8;
	v4 =	vld [tilespmem:s21+$0x400];
	s0 =	sshrl.u32 s0, $0x2  }
0x39: {  	[tilespmem:s22+$0xFFFFFC40] =	vst v9;
	v1 =	vld [tilespmem:s21+$0x410];
	s28 =	sadd.s32 s0, s24  }
0x3a: {  	[tilespmem:s28+$0x0] =	vst v3;
	v3 =	vld [tilespmem:s21+$0x3F0]  }
0x3b: {  	s31 =	simm.s32 $0x100;
	[tilespmem:s22+$0xFFFFFC50] =	vst v10;
	v2 =	vld [tilespmem:s21+$0x420];
	s1 =	simm.s32 $0x80  }
0x3c: {  	s29 =	sadd.s32 $0x80, s21;
	s30 =	smov.u32 s22;
	v7 =	vld [tilespmem:s21+$0xFFFFFFC0];
	[tilespmem:s22+$0xFFFFFC60] =	vst v11;
	s0 =	sand.u32 $0x300, s1  }
.LBB1_4:
0x3d: {  	p1 =	sne.s32 s31, $0x380;
	v8 =	vld [tilespmem:s29+$0xFFFFFFD0];
	s1 =	sand.u32 $0x80, s1;
	s0 =	sadd.s32 s0, s23;
	[tilespmem:s30+$0x0] =	vst v6  }
0x3e: {  	s0 =	sadd.s32 s1, s0;
	v6 =	vld [tilespmem:s29+$0x430];
	[tilespmem:s30+$0x10] =	vst v5;
	s1 =	smov.u32 s31  }
0x3f: {  	v5 =	vld.idx.msk [tilespmem:v0+s0+$0x400 ss:$0x1], $0xffff;
	[tilespmem:s30+$0x20] =	vst v3  }
0x40: {  	v3 =	vld [tilespmem:s29+$0xFFFFFFE0];
	[tilespmem:s30+$0x30] =	vst v4  }
0x41: {  	v4 =	vld [tilespmem:s29+$0xFFFFFFF0];
	[tilespmem:s30+$0xFFFFFBF0] =	vst v7  }
0x42: {  	v7 =	vld [tilespmem:s29+$0x0];
	[tilespmem:s30+$0x40] =	vst v1  }
0x43: {  	v1 =	vld [tilespmem:s29+$0x10];
	[tilespmem:s30+$0x50] =	vst v2;
	s30 =	sadd.s32 $0x800, s30  }
0x44: {  	s28 =	sadd.s32 $0x800, s28;
	v2 =	vld [tilespmem:s29+$0x20];
	[tilespmem:s30+$0x60] =	vst v6  }
0x45: {  	v9 =	vld [tilespmem:s29+$0x30];
	[tilespmem:s28+$0x0] =	vst v5  }
0x46: {  	[tilespmem:s30+$0xFFFFFC00] =	vst v8;
	v6 =	vld [tilespmem:s29+$0x3D0]  }
0x47: {  	[tilespmem:s30+$0xFFFFFC10] =	vst v3;
	v5 =	vld [tilespmem:s29+$0x3E0]  }
.Ltmp3:
0x48: {  	[tilespmem:s30+$0xFFFFFC20] =	vst v4;
	v3 =	vld [tilespmem:s29+$0x3F0];
	(pc) =	sbr.rel @p1 .LBB1_4-.Ltmp3, $4  }
0x49: {  	[tilespmem:s30+$0xFFFFFC30] =	vst v7;
	v4 =	vld [tilespmem:s29+$0x400]  }
0x4a: {  	[tilespmem:s30+$0xFFFFFC40] =	vst v1;
	v1 =	vld [tilespmem:s29+$0x410]  }
0x4b: {  	[tilespmem:s30+$0xFFFFFC50] =	vst v2;
	v2 =	vld [tilespmem:s29+$0x420]  }
0x4c: {  	s31 =	sadd.s32 $0x80, s31;
	s0 =	sand.u32 $0x300, s1;
	v7 =	vld [tilespmem:s29+$0xFFFFFFC0];
	[tilespmem:s30+$0xFFFFFC60] =	vst v9;
	s29 =	sadd.s32 $0x80, s29  }
0x4d: {  	[tilespmem:s30+$0x0] =	vst v6  }
0x4e: {  	[tilespmem:s30+$0x10] =	vst v5  }
0x4f: {  	v49 =	vld [tilespmem:s29+$0x430];
	[tilespmem:s30+$0x20] =	vst v3  }
0x50: {  	v50 =	vld [tilespmem:s29+$0xFFFFFFD0];
	[tilespmem:s30+$0x30] =	vst v4  }
0x51: {  	v51 =	vld [tilespmem:s29+$0xFFFFFFE0];
	[tilespmem:s30+$0x40] =	vst v1  }
0x52: {  	v52 =	vld [tilespmem:s29+$0xFFFFFFF0];
	[tilespmem:s30+$0x50] =	vst v2  }
0x53: {  	v53 =	vld [tilespmem:s29+$0x0];
	[tilespmem:s30+$0xFFFFFBF0] =	vst v7;
	s30 =	sadd.s32 $0x800, s30  }
0x54: {  	v54 =	vld [tilespmem:s29+$0x10];
	[tilespmem:s30+$0x60] =	vst v49  }
0x55: {  	v55 =	vld [tilespmem:s29+$0x20];
	[tilespmem:s30+$0xFFFFFC00] =	vst v50  }
0x56: {  	v56 =	vld [tilespmem:s29+$0x30];
	[tilespmem:s30+$0xFFFFFC10] =	vst v51  }
0x57: {  	v57 =	vld [tilespmem:s29+$0x3D0];
	[tilespmem:s30+$0xFFFFFC20] =	vst v52  }
0x58: {  	v58 =	vld [tilespmem:s29+$0x3E0];
	[tilespmem:s30+$0xFFFFFC30] =	vst v53  }
0x59: {  	v59 =	vld [tilespmem:s29+$0x3F0];
	[tilespmem:s30+$0xFFFFFC40] =	vst v54  }
0x5a: {  	v60 =	vld [tilespmem:s29+$0x400];
	[tilespmem:s30+$0xFFFFFC50] =	vst v55  }
0x5b: {  	v61 =	vld [tilespmem:s29+$0xFFFFFFC0];
	[tilespmem:s30+$0xFFFFFC60] =	vst v56  }
0x5c: {  	s1 =	sand.u32 $0x80, s1;
	s0 =	sadd.s32 s0, s23;
	v62 =	vld [tilespmem:s29+$0x410];
	[tilespmem:s30+$0x0] =	vst v57  }
0x5d: {  	v63 =	vld [tilespmem:s29+$0x420];
	s27 =	sadd.s32 $0x1, s27;
	s0 =	sadd.s32 s1, s0;
	[tilespmem:s30+$0x10] =	vst v58  }
0x5e: {  	p1 =	sne.s32 s27, $0x8;
	v0 =	vld.idx.msk [tilespmem:v0+s0+$0x400 ss:$0x1], $0xffff;
	[tilespmem:s30+$0x20] =	vst v59  }
.Ltmp4:
0x5f: {  	[tilespmem:s30+$0x30] =	vst v60;
	(pc) =	sbr.rel @p1 .LBB1_3-.Ltmp4, $4  }
0x60: {  	[tilespmem:s30+$0xFFFFFBF0] =	vst v61  }
0x61: {  	[tilespmem:s30+$0x40] =	vst v62  }
0x62: {  	s31 =	sadd.s32 $0x800, s28;
	s21 =	sadd.s32 $0x800, s21;
	[tilespmem:s30+$0x50] =	vst v63  }
0x63: {  	s26 =	sadd.s32 $0x80, s26;
	p0 =	por !p0, !p0;
	s22 =	sadd.s32 $0x80, s22;
	[tilespmem:s31+$0x0] =	vst v0  }
0x64: {  	s0 =	sshll.u32 s19, $0x7  }
0x65: {  	s1 =	sand.u32 $0x78, s16;
	s18 =	sshll.u32 s18, $0x14;
	s17 =	sshll.u32 s17, $0x11  }
0x66: {  	s30 =	sand.u32 $0x7, s16;
	s19 =	sand.u32 $0x380, s0;
	s0 =	sand.u32 $0x1FC00, s0  }
.Ltmp5:
0x67: {  	s18 =	sadd.s32 s4, s18;
	s1 =	sor.u32 s19, s1;
	(pc) =	sbr.rel .LBB1_7-.Ltmp5, $4  }
0x68: {  	s0 =	sadd.s32 s16, s0;
	s17 =	sadd.s32 s17, s18;
	s1 =	sshrl.u32 s1, $0x3  }
0x69: {  	s16 =	sshll.u32 s30, $0x12;
	s0 =	sand.u32 $0x1FF80, s0;
	s1 =	sadd.s32 s1, s17  }
0x6a: {  	s31 =	sor.u32 $0x800, s16;
	s0 =	sadd.s32 s0, s1  }
0x6b: {  	[hbm4b:s0+s31] =	stream.strided.scatter [tilespmem:s20], [sflag:$0x2], $0x4000, s9, s31, $0x38;
	[tilespmem:$0x10000] =	vst v63  }
.LBB1_8:
0x6c: {  	_ =	sfence.sel $0x180000  }
0x6d: {  	s0 =	simm.s32 $0x1;
	[bflag:$0x0] =	sbarrier.arrive $0xFFFF  }
0x6e: {  	s30 =	simm.s32 $0x2;
	[sflag:s0] =	ssyncpa.u1 $0x1  }
0x6f: {  	[sflag:s30] =	ssyncpa.u1 $0x1  }
0x70: {  	_ =	strace $0x90000047  }
0x71: {  	s31 =	stileid.u32;
	[bflag:$0x2] =	sbarrier.arrive $0xFFFF  }
0x72: {  	p0 =	sne.s32 s31, $0x0;
	s0 =	rddreg [dreg:$0x1]  }
0x73: {  	s0 =	sadd.s32 @!p0 $0x100000, s0  }
0x74: {  	[sflag:s0] =	ssyncadd.tile.s32 @!p0 $0x1;
	_ =	shalt  }
.Lfunc_end1:
_tile_overlayer_lowered:
.L_overlay_start_2:
0x75: {  	(tag) =	ssettag $0x2  }
0x76: {  	s0 =	rddreg [dreg:$0x0];
	s2 =	stileid.u32  }
0x77: {  	s1 =	rddreg [dreg:$0x1];
	p0 =	sne.s32 s2, $0x0  }
0x78: {  	s3 =	rddreg [dreg:$0x2];
	[bflag:$0x3] =	sbarrier.arrive $0xFFFF;
	s2 =	simm.s32 @!p0 $0x1C01  }
0x79: {  	[timem:s3], [sflag:s2] =	dma.local @!p0 [hbm:s0], s1  }
0x7a: {  	s0 =	simm.s32 @!p0 $0x1  }
0x7b: {  	_ =	swait.ge @!p0 [sflag:s0], s1  }
0x7c: {  	s1 =	ssub.s32 @!p0 $0x0, s1;
	[sflag:s0] =	ssyncset.done @!p0 $0x0  }
0x7d: {  	[sflag:s0] =	ssyncadd.s32 @!p0 s1  }
0x7e: {  	[bflag:$0x3] =	sbarrier.arrive $0xFFFF  }
0x7f: {  	_ =	shalt  }

</sc_bundles>
